<compile_context>
chip_gen: v7x
topology: tpu7x:2x2x1
jax: 0.10.2.dev20260603
libtpu: 0.0.44.dev20260713+nightly
codegen_flags: <defaults>
</compile_context>

<pallas_src>
import jax
import jax.numpy as jnp
from jax import lax
from jax.experimental import pallas as pl
from jax.experimental.pallas import tpu as pltpu
from jax.experimental.pallas import tpu_sc as plsc

_NC, _NS = 2, 16
_E = 320000
_D = 128
_N = 10000
_HALF = _N // _NC
_EPT = _E // _NS
_B = 128
_NFULL = _EPT // _B
_TAIL = _EPT - _NFULL * _B
_NBLK = _NFULL + 1
_NG = _NFULL // 3
_ACC_ROWS = 5632
_ZPT = _ACC_ROWS // _NS
_OPT = 312


def _sc_body(msg_hbm, idx_hbm, zer_hbm, out_hbm, b0, b1, b2, idx_v, acc,
             l0, l1, l2, c0, c1, c2):
    c = lax.axis_index("c")
    s = lax.axis_index("s")
    row0 = s * _EPT
    bufs = (b0, b1, b2)
    lsem = (l0, l1, l2)
    csem = (c0, c1, c2)

    def load(j, k):
        pltpu.async_copy(msg_hbm.at[pl.ds(row0 + j * _B, _B)], bufs[k], lsem[k])

    def load_wait(j, k):
        pltpu.make_async_copy(msg_hbm.at[pl.ds(row0 + j * _B, _B)],
                              bufs[k], lsem[k]).wait()

    def scat(j, k):
        pltpu.async_copy(bufs[k], acc.at[idx_v.at[j]], csem[k], add=True)

    def scat_wait(j, k):
        pltpu.make_async_copy(bufs[k], acc.at[idx_v.at[j]], csem[k]).wait()

    load(0, 0)
    load(1, 1)

    pltpu.async_copy(zer_hbm.at[pl.ds(s * _ZPT, _ZPT)],
                     acc.at[pl.ds(s * _ZPT, _ZPT)], c0)
    pltpu.sync_copy(idx_hbm.at[c, s], idx_v)
    pltpu.make_async_copy(zer_hbm.at[pl.ds(s * _ZPT, _ZPT)],
                          acc.at[pl.ds(s * _ZPT, _ZPT)], c0).wait()
    plsc.subcore_barrier()

    def _group(i, carry):
        for k in range(3):
            j = i * 3 + k
            k2 = (k + 2) % 3
            load_wait(j, k)
            scat(j, k)
            if k == 0:

                @pl.when(i > 0)
                def _():
                    scat_wait(j - 1, k2)

                load(j + 2, k2)
            else:
                scat_wait(j - 1, k2)

                @pl.when(i < _NG - 1)
                def _():
                    load(j + 2, k2)
        return carry

    lax.fori_loop(0, _NG, _group, 0)
    scat_wait(_NFULL - 1, (_NFULL - 1) % 3)

    pltpu.async_copy(msg_hbm.at[pl.ds(row0 + _NFULL * _B, _TAIL)],
                     b0.at[pl.ds(0, _TAIL)], l0)
    pltpu.make_async_copy(msg_hbm.at[pl.ds(row0 + _NFULL * _B, _TAIL)],
                          b0.at[pl.ds(0, _TAIL)], l0).wait()
    pltpu.sync_copy(b0, acc.at[idx_v.at[_NFULL]], add=True)

    plsc.subcore_barrier()

    pltpu.sync_copy(acc.at[pl.ds(s * _OPT, _OPT)],
                    out_hbm.at[pl.ds(c * _HALF + s * _OPT, _OPT)])

    @pl.when(s == _NS - 1)
    def _():
        pltpu.sync_copy(acc.at[pl.ds(_NS * _OPT, _HALF - _NS * _OPT)],
                        out_hbm.at[pl.ds(c * _HALF + _NS * _OPT,
                                         _HALF - _NS * _OPT)])


@jax.jit
def _run(messages, dst):
    dstp = jnp.concatenate(
        [dst.reshape(_NS, _EPT),
         jnp.full((_NS, _NBLK * _B - _EPT), jnp.int32(1 << 30))], axis=1)
    dummy = jnp.int32(_HALF) + (
        jax.lax.broadcasted_iota(jnp.int32, dstp.shape, 1)
        % jnp.int32(_ACC_ROWS - _HALF))
    halves = []
    for core in range(_NC):
        local = dstp - jnp.int32(core * _HALF)
        ok = (local >= 0) & (local < _HALF)
        halves.append(jnp.where(ok, local, dummy))
    idx = jnp.stack(halves).reshape(_NC, _NS, _NBLK, _B)

    mesh = plsc.VectorSubcoreMesh(core_axis_name="c", subcore_axis_name="s",
                                  num_cores=_NC, num_subcores=_NS)
    return pl.kernel(
        _sc_body,
        out_type=jax.ShapeDtypeStruct((_N, _D), jnp.float32),
        mesh=mesh,
        scratch_types=[
            pltpu.VMEM((_B, _D), jnp.float32),
            pltpu.VMEM((_B, _D), jnp.float32),
            pltpu.VMEM((_B, _D), jnp.float32),
            pltpu.VMEM((_NBLK, _B), jnp.int32),
            pltpu.VMEM_SHARED((_ACC_ROWS, _D), jnp.float32),
            pltpu.SemaphoreType.DMA,
            pltpu.SemaphoreType.DMA,
            pltpu.SemaphoreType.DMA,
            pltpu.SemaphoreType.DMA,
            pltpu.SemaphoreType.DMA,
            pltpu.SemaphoreType.DMA,
        ],
    )(messages, idx, jnp.zeros((_ACC_ROWS, _D), jnp.float32))


def kernel(messages, edge_index, num_nodes):
    return _run(messages, edge_index[1].astype(jnp.int32))

# --- scband reference (transcript-rebuilt; emitter-appended) ---
"""Pipeline reference for scband-sagestage3-reduce-sum-45140106281405 (READ-ONLY COPY).

The authoritative reference and input builder live on the scoring server;
editing this copy changes nothing except your own understanding.
"""

import jax, jax.numpy as jnp
import numpy as np

NUM_NODES = 10000
NUM_EDGES = 320000
FEAT_DIM = 128

def setup_inputs(seed: int = 0) -> dict:
    key = jax.random.key(seed)
    k1, k2 = jax.random.split(key)
    messages = jax.random.normal(k1, (NUM_EDGES, FEAT_DIM), dtype=jnp.float32)
    edge_index = jax.random.randint(k2, (2, NUM_EDGES), 0, NUM_NODES, dtype=jnp.int64)
    return {"messages": messages, "edge_index": edge_index, "num_nodes": NUM_NODES}

def reference(messages, edge_index, num_nodes):
    # Stage 3: REDUCE_SUM - sum aggregation over destination nodes (scatter-add)
    target_nodes = edge_index[1]
    target_nodes = jnp.where(target_nodes < num_nodes, target_nodes, num_nodes)
    out = jnp.zeros((NUM_NODES, messages.shape[1]), dtype=messages.dtype)
    out = out.at[target_nodes].add(messages)
    return out

if __name__ == "__main__":
    import jax
    _d = setup_inputs()
    print(jax.jit(kernel)(*tuple(_d.values())))

</pallas_src>

<mosaic_0001>
#map = affine_map<(d0, d1) -> (0, 0)>
#map1 = affine_map<(d0, d1) -> (0, 0, 0, 0)>
module attributes {stable_mosaic.version = 14 : i64} {
  func.func @_sc_body(%arg0: i32, %arg1: i32, %arg2: memref<320000x128xf32, #tpu.memory_space<hbm>>, %arg3: memref<2x16x157x128xi32, #tpu.memory_space<hbm>>, %arg4: memref<5632x128xf32, #tpu.memory_space<hbm>>, %arg5: memref<10000x128xf32, #tpu.memory_space<hbm>>, %arg6: memref<128x128xf32, #tpu.memory_space<vmem>>, %arg7: memref<128x128xf32, #tpu.memory_space<vmem>>, %arg8: memref<128x128xf32, #tpu.memory_space<vmem>>, %arg9: memref<157x128xi32, #tpu.memory_space<vmem>>, %arg10: memref<5632x128xf32, #tpu.memory_space<vmem_shared>>, %arg11: memref<!tpu.dma_semaphore, #tpu.memory_space<semaphore_mem>>, %arg12: memref<!tpu.dma_semaphore, #tpu.memory_space<semaphore_mem>>, %arg13: memref<!tpu.dma_semaphore, #tpu.memory_space<semaphore_mem>>, %arg14: memref<!tpu.dma_semaphore, #tpu.memory_space<semaphore_mem>>, %arg15: memref<!tpu.dma_semaphore, #tpu.memory_space<semaphore_mem>>, %arg16: memref<!tpu.dma_semaphore, #tpu.memory_space<semaphore_mem>>) attributes {dimension_semantics = [#tpu.dimension_semantics<core_parallel>, #tpu.dimension_semantics<subcore_parallel>], iteration_bounds = array<i64: 2, 16>, scalar_prefetch = 0 : i64, scratch_operands = 11 : i64, tpu.core_type = #tpu.core_type<sc_vector_subcore>, window_params = [{transform_indices = #map}, {transform_indices = #map1}, {transform_indices = #map}, {transform_indices = #map}]} {
    %mul3A = arith.constant 20000 : i32
    %mul3A_0 = arith.muli %arg1, %mul3A : i32
    %add3A = arith.constant 0 : i32
    %add3A_1 = arith.addi %mul3A_0, %add3A : i32
    %dma_start3A = arith.constant 0 : i32
    %dma_start3A_2 = tpu.memref_slice %arg2[%add3A_1, %dma_start3A] : memref<320000x128xf32, #tpu.memory_space<hbm>> -> memref<128x128xf32, #tpu.memory_space<hbm>>
    %dma_start3A_3 = arith.constant 0 : i32
    %dma_start3A_4 = tpu.memref_slice %arg2[%add3A_1, %dma_start3A_3] : memref<320000x128xf32, #tpu.memory_space<hbm>> -> memref<128x128xf32, #tpu.memory_space<hbm>>
    tpu.enqueue_dma source(%dma_start3A_4 : memref<128x128xf32, #tpu.memory_space<hbm>>) target(%arg6 : memref<128x128xf32, #tpu.memory_space<vmem>>) target_semaphore(%arg11 : memref<!tpu.dma_semaphore, #tpu.memory_space<semaphore_mem>>)
    %add3A_5 = arith.constant 128 : i32
    %add3A_6 = arith.addi %mul3A_0, %add3A_5 : i32
    %dma_start3A_7 = arith.constant 0 : i32
    %dma_start3A_8 = tpu.memref_slice %arg2[%add3A_6, %dma_start3A_7] : memref<320000x128xf32, #tpu.memory_space<hbm>> -> memref<128x128xf32, #tpu.memory_space<hbm>>
    %dma_start3A_9 = arith.constant 0 : i32
    %dma_start3A_10 = tpu.memref_slice %arg2[%add3A_6, %dma_start3A_9] : memref<320000x128xf32, #tpu.memory_space<hbm>> -> memref<128x128xf32, #tpu.memory_space<hbm>>
    tpu.enqueue_dma source(%dma_start3A_10 : memref<128x128xf32, #tpu.memory_space<hbm>>) target(%arg7 : memref<128x128xf32, #tpu.memory_space<vmem>>) target_semaphore(%arg12 : memref<!tpu.dma_semaphore, #tpu.memory_space<semaphore_mem>>)
    %mul3A_11 = arith.constant 352 : i32
    %mul3A_12 = arith.muli %arg1, %mul3A_11 : i32
    %mul3A_13 = arith.constant 352 : i32
    %mul3A_14 = arith.muli %arg1, %mul3A_13 : i32
    %dma_start3A_15 = arith.constant 0 : i32
    %dma_start3A_16 = tpu.memref_slice %arg10[%mul3A_14, %dma_start3A_15] : memref<5632x128xf32, #tpu.memory_space<vmem_shared>> -> memref<352x128xf32, #tpu.memory_space<vmem_shared>>
    %dma_start3A_17 = arith.constant 0 : i32
    %dma_start3A_18 = tpu.memref_slice %arg4[%mul3A_12, %dma_start3A_17] : memref<5632x128xf32, #tpu.memory_space<hbm>> -> memref<352x128xf32, #tpu.memory_space<hbm>>
    tpu.enqueue_dma source(%dma_start3A_18 : memref<352x128xf32, #tpu.memory_space<hbm>>) target(%dma_start3A_16 : memref<352x128xf32, #tpu.memory_space<vmem_shared>>) target_semaphore(%arg14 : memref<!tpu.dma_semaphore, #tpu.memory_space<semaphore_mem>>)
    "tpu.region"() ({
      %run_scoped3A_72 = tpu.sem_alloc : memref<!tpu.dma_semaphore, #tpu.memory_space<semaphore_mem>>
      %dma_start3A_73 = arith.constant 0 : i32
      %dma_start3A_74 = arith.constant 0 : i32
      %dma_start3A_75 = tpu.memref_slice %arg3[%arg0, %arg1, %dma_start3A_73, %dma_start3A_74] : memref<2x16x157x128xi32, #tpu.memory_space<hbm>> -> memref<1x1x157x128xi32, #tpu.memory_space<hbm>>
      %dma_start3A_76 = tpu.memref_squeeze %dma_start3A_75 : memref<1x1x157x128xi32, #tpu.memory_space<hbm>> -> memref<157x128xi32, #tpu.memory_space<hbm>>
      %dma_start3A_77 = arith.constant 0 : i32
      %dma_start3A_78 = arith.constant 0 : i32
      %dma_start3A_79 = tpu.memref_slice %arg3[%arg0, %arg1, %dma_start3A_77, %dma_start3A_78] : memref<2x16x157x128xi32, #tpu.memory_space<hbm>> -> memref<1x1x157x128xi32, #tpu.memory_space<hbm>>
      %dma_start3A_80 = tpu.memref_squeeze %dma_start3A_79 : memref<1x1x157x128xi32, #tpu.memory_space<hbm>> -> memref<157x128xi32, #tpu.memory_space<hbm>>
      tpu.enqueue_dma source(%dma_start3A_80 : memref<157x128xi32, #tpu.memory_space<hbm>>) target(%arg9 : memref<157x128xi32, #tpu.memory_space<vmem>>) target_semaphore(%run_scoped3A_72 : memref<!tpu.dma_semaphore, #tpu.memory_space<semaphore_mem>>)
      %dma_wait3A_81 = arith.constant 0 : i32
      %dma_wait3A_82 = arith.constant 0 : i32
      %dma_wait3A_83 = tpu.memref_slice %arg3[%arg0, %arg1, %dma_wait3A_81, %dma_wait3A_82] : memref<2x16x157x128xi32, #tpu.memory_space<hbm>> -> memref<1x1x157x128xi32, #tpu.memory_space<hbm>>
      %dma_wait3A_84 = tpu.memref_squeeze %dma_wait3A_83 : memref<1x1x157x128xi32, #tpu.memory_space<hbm>> -> memref<157x128xi32, #tpu.memory_space<hbm>>
      %dma_wait3A_85 = arith.constant 0 : i32
      %dma_wait3A_86 = arith.constant 0 : i32
      %dma_wait3A_87 = tpu.memref_slice %arg3[%arg0, %arg1, %dma_wait3A_85, %dma_wait3A_86] : memref<2x16x157x128xi32, #tpu.memory_space<hbm>> -> memref<1x1x157x128xi32, #tpu.memory_space<hbm>>
      %dma_wait3A_88 = tpu.memref_squeeze %dma_wait3A_87 : memref<1x1x157x128xi32, #tpu.memory_space<hbm>> -> memref<157x128xi32, #tpu.memory_space<hbm>>
      tpu.wait_dma2 semaphore(%run_scoped3A_72 : memref<!tpu.dma_semaphore, #tpu.memory_space<semaphore_mem>>) src(%dma_wait3A_88 : memref<157x128xi32, #tpu.memory_space<hbm>>) dst(%arg9 : memref<157x128xi32, #tpu.memory_space<vmem>>)
      tpu.yield
    }) : () -> ()
    %mul3A_19 = arith.constant 352 : i32
    %mul3A_20 = arith.muli %arg1, %mul3A_19 : i32
    %mul3A_21 = arith.constant 352 : i32
    %mul3A_22 = arith.muli %arg1, %mul3A_21 : i32
    %dma_wait3A = arith.constant 0 : i32
    %dma_wait3A_23 = tpu.memref_slice %arg10[%mul3A_22, %dma_wait3A] : memref<5632x128xf32, #tpu.memory_space<vmem_shared>> -> memref<352x128xf32, #tpu.memory_space<vmem_shared>>
    %dma_wait3A_24 = arith.constant 0 : i32
    %dma_wait3A_25 = tpu.memref_slice %arg4[%mul3A_20, %dma_wait3A_24] : memref<5632x128xf32, #tpu.memory_space<hbm>> -> memref<352x128xf32, #tpu.memory_space<hbm>>
    tpu.wait_dma2 semaphore(%arg14 : memref<!tpu.dma_semaphore, #tpu.memory_space<semaphore_mem>>) src(%dma_wait3A_25 : memref<352x128xf32, #tpu.memory_space<hbm>>) dst(%dma_wait3A_23 : memref<352x128xf32, #tpu.memory_space<vmem_shared>>)
    %barrier3A = arith.constant 0 : index
    tpu.barrier barrier_id(%barrier3A)
    %scan3A = arith.constant 0 : i32
    %scan3A_26 = arith.constant 0 : i32
    %scan3A_27 = arith.constant 52 : i32
    %scan3A_28 = arith.addi %scan3A_26, %scan3A_27 : i32
    %scan3A_29 = arith.constant 1 : i32
    scf.for %scan3A_72 = %scan3A_26 to %scan3A_28 step %scan3A_29  : i32 {
      %mul3A_73 = arith.constant 3 : i32
      %mul3A_74 = arith.muli %scan3A_72, %mul3A_73 : i32
      %add3A_75 = arith.constant 0 : i32
      %add3A_76 = arith.addi %mul3A_74, %add3A_75 : i32
      %mul3A_77 = arith.constant 128 : i32
      %mul3A_78 = arith.muli %add3A_76, %mul3A_77 : i32
      %add3A_79 = arith.addi %mul3A_0, %mul3A_78 : i32
      %dma_wait3A_80 = arith.constant 0 : i32
      %dma_wait3A_81 = tpu.memref_slice %arg2[%add3A_79, %dma_wait3A_80] : memref<320000x128xf32, #tpu.memory_space<hbm>> -> memref<128x128xf32, #tpu.memory_space<hbm>>
      %dma_wait3A_82 = arith.constant 0 : i32
      %dma_wait3A_83 = tpu.memref_slice %arg2[%add3A_79, %dma_wait3A_82] : memref<320000x128xf32, #tpu.memory_space<hbm>> -> memref<128x128xf32, #tpu.memory_space<hbm>>
      tpu.wait_dma2 semaphore(%arg11 : memref<!tpu.dma_semaphore, #tpu.memory_space<semaphore_mem>>) src(%dma_wait3A_83 : memref<128x128xf32, #tpu.memory_space<hbm>>) dst(%arg6 : memref<128x128xf32, #tpu.memory_space<vmem>>)
      %dma_start3A_84 = arith.constant 0 : i32
      %dma_start3A_85 = tpu.memref_slice %arg9[%add3A_76, %dma_start3A_84] : memref<157x128xi32, #tpu.memory_space<vmem>> -> memref<1x128xi32, #tpu.memory_space<vmem>>
      %dma_start3A_86 = tpu.memref_squeeze %dma_start3A_85 : memref<1x128xi32, #tpu.memory_space<vmem>> -> memref<128xi32, #tpu.memory_space<vmem>>
      %dma_start3A_87 = arith.constant 0 : i32
      %dma_start3A_88 = arith.constant 0 : i32
      %dma_start3A_89 = tpu.memref_slice %arg10[%dma_start3A_87, %dma_start3A_88] : memref<5632x128xf32, #tpu.memory_space<vmem_shared>> -> memref<5632x128xf32, #tpu.memory_space<vmem_shared>>
      tpu.enqueue_indirect_dma source(%arg6 : memref<128x128xf32, #tpu.memory_space<vmem>>) target(%dma_start3A_89 : memref<5632x128xf32, #tpu.memory_space<vmem_shared>>) offsets(%dma_start3A_86 : memref<128xi32, #tpu.memory_space<vmem>>) semaphore(%arg14 : memref<!tpu.dma_semaphore, #tpu.memory_space<semaphore_mem>>) {add = true}
      %gt3A = arith.constant 0 : i32
      %gt3A_90 = arith.cmpi sgt, %scan3A_72, %gt3A : i32
      %convert_element_type3A_91 = arith.extui %gt3A_90 : i1 to i32
      %cond3A_92 = arith.constant 0 : i32
      %cond3A_93 = arith.cmpi ne, %convert_element_type3A_91, %cond3A_92 : i32
      scf.if %cond3A_93 {
        %sub3A_161 = arith.constant 1 : i32
        %sub3A_162 = arith.subi %add3A_76, %sub3A_161 : i32
        %dma_wait3A_163 = arith.constant 0 : i32
        %dma_wait3A_164 = tpu.memref_slice %arg9[%sub3A_162, %dma_wait3A_163] : memref<157x128xi32, #tpu.memory_space<vmem>> -> memref<1x128xi32, #tpu.memory_space<vmem>>
        %dma_wait3A_165 = tpu.memref_squeeze %dma_wait3A_164 : memref<1x128xi32, #tpu.memory_space<vmem>> -> memref<128xi32, #tpu.memory_space<vmem>>
        %dma_wait3A_166 = arith.constant 0 : i32
        %dma_wait3A_167 = arith.constant 0 : i32
        %dma_wait3A_168 = tpu.memref_slice %arg10[%dma_wait3A_166, %dma_wait3A_167] : memref<5632x128xf32, #tpu.memory_space<vmem_shared>> -> memref<5632x128xf32, #tpu.memory_space<vmem_shared>>
        tpu.wait_indirect_dma semaphore(%arg16 : memref<!tpu.dma_semaphore, #tpu.memory_space<semaphore_mem>>) src(%arg8 : memref<128x128xf32, #tpu.memory_space<vmem>>) dst(%dma_wait3A_168 : memref<5632x128xf32, #tpu.memory_space<vmem_shared>>)
      } else {
      }
      %add3A_94 = arith.constant 2 : i32
      %add3A_95 = arith.addi %add3A_76, %add3A_94 : i32
      %mul3A_96 = arith.constant 128 : i32
      %mul3A_97 = arith.muli %add3A_95, %mul3A_96 : i32
      %add3A_98 = arith.addi %mul3A_0, %mul3A_97 : i32
      %dma_start3A_99 = arith.constant 0 : i32
      %dma_start3A_100 = tpu.memref_slice %arg2[%add3A_98, %dma_start3A_99] : memref<320000x128xf32, #tpu.memory_space<hbm>> -> memref<128x128xf32, #tpu.memory_space<hbm>>
      %dma_start3A_101 = arith.constant 0 : i32
      %dma_start3A_102 = tpu.memref_slice %arg2[%add3A_98, %dma_start3A_101] : memref<320000x128xf32, #tpu.memory_space<hbm>> -> memref<128x128xf32, #tpu.memory_space<hbm>>
      tpu.enqueue_dma source(%dma_start3A_102 : memref<128x128xf32, #tpu.memory_space<hbm>>) target(%arg8 : memref<128x128xf32, #tpu.memory_space<vmem>>) target_semaphore(%arg13 : memref<!tpu.dma_semaphore, #tpu.memory_space<semaphore_mem>>)
      %mul3A_103 = arith.constant 3 : i32
      %mul3A_104 = arith.muli %scan3A_72, %mul3A_103 : i32
      %add3A_105 = arith.constant 1 : i32
      %add3A_106 = arith.addi %mul3A_104, %add3A_105 : i32
      %mul3A_107 = arith.constant 128 : i32
      %mul3A_108 = arith.muli %add3A_106, %mul3A_107 : i32
      %add3A_109 = arith.addi %mul3A_0, %mul3A_108 : i32
      %dma_wait3A_110 = arith.constant 0 : i32
      %dma_wait3A_111 = tpu.memref_slice %arg2[%add3A_109, %dma_wait3A_110] : memref<320000x128xf32, #tpu.memory_space<hbm>> -> memref<128x128xf32, #tpu.memory_space<hbm>>
      %dma_wait3A_112 = arith.constant 0 : i32
      %dma_wait3A_113 = tpu.memref_slice %arg2[%add3A_109, %dma_wait3A_112] : memref<320000x128xf32, #tpu.memory_space<hbm>> -> memref<128x128xf32, #tpu.memory_space<hbm>>
      tpu.wait_dma2 semaphore(%arg12 : memref<!tpu.dma_semaphore, #tpu.memory_space<semaphore_mem>>) src(%dma_wait3A_113 : memref<128x128xf32, #tpu.memory_space<hbm>>) dst(%arg7 : memref<128x128xf32, #tpu.memory_space<vmem>>)
      %dma_start3A_114 = arith.constant 0 : i32
      %dma_start3A_115 = tpu.memref_slice %arg9[%add3A_106, %dma_start3A_114] : memref<157x128xi32, #tpu.memory_space<vmem>> -> memref<1x128xi32, #tpu.memory_space<vmem>>
      %dma_start3A_116 = tpu.memref_squeeze %dma_start3A_115 : memref<1x128xi32, #tpu.memory_space<vmem>> -> memref<128xi32, #tpu.memory_space<vmem>>
      %dma_start3A_117 = arith.constant 0 : i32
      %dma_start3A_118 = arith.constant 0 : i32
      %dma_start3A_119 = tpu.memref_slice %arg10[%dma_start3A_117, %dma_start3A_118] : memref<5632x128xf32, #tpu.memory_space<vmem_shared>> -> memref<5632x128xf32, #tpu.memory_space<vmem_shared>>
      tpu.enqueue_indirect_dma source(%arg7 : memref<128x128xf32, #tpu.memory_space<vmem>>) target(%dma_start3A_119 : memref<5632x128xf32, #tpu.memory_space<vmem_shared>>) offsets(%dma_start3A_116 : memref<128xi32, #tpu.memory_space<vmem>>) semaphore(%arg15 : memref<!tpu.dma_semaphore, #tpu.memory_space<semaphore_mem>>) {add = true}
      %sub3A = arith.constant 1 : i32
      %sub3A_120 = arith.subi %add3A_106, %sub3A : i32
      %dma_wait3A_121 = arith.constant 0 : i32
      %dma_wait3A_122 = tpu.memref_slice %arg9[%sub3A_120, %dma_wait3A_121] : memref<157x128xi32, #tpu.memory_space<vmem>> -> memref<1x128xi32, #tpu.memory_space<vmem>>
      %dma_wait3A_123 = tpu.memref_squeeze %dma_wait3A_122 : memref<1x128xi32, #tpu.memory_space<vmem>> -> memref<128xi32, #tpu.memory_space<vmem>>
      %dma_wait3A_124 = arith.constant 0 : i32
      %dma_wait3A_125 = arith.constant 0 : i32
      %dma_wait3A_126 = tpu.memref_slice %arg10[%dma_wait3A_124, %dma_wait3A_125] : memref<5632x128xf32, #tpu.memory_space<vmem_shared>> -> memref<5632x128xf32, #tpu.memory_space<vmem_shared>>
      tpu.wait_indirect_dma semaphore(%arg14 : memref<!tpu.dma_semaphore, #tpu.memory_space<semaphore_mem>>) src(%arg6 : memref<128x128xf32, #tpu.memory_space<vmem>>) dst(%dma_wait3A_126 : memref<5632x128xf32, #tpu.memory_space<vmem_shared>>)
      %lt3A = arith.constant 51 : i32
      %lt3A_127 = arith.cmpi slt, %scan3A_72, %lt3A : i32
      %convert_element_type3A_128 = arith.extui %lt3A_127 : i1 to i32
      %cond3A_129 = arith.constant 0 : i32
      %cond3A_130 = arith.cmpi ne, %convert_element_type3A_128, %cond3A_129 : i32
      scf.if %cond3A_130 {
        %add3A_161 = arith.constant 2 : i32
        %add3A_162 = arith.addi %add3A_106, %add3A_161 : i32
        %mul3A_163 = arith.constant 128 : i32
        %mul3A_164 = arith.muli %add3A_162, %mul3A_163 : i32
        %add3A_165 = arith.addi %mul3A_0, %mul3A_164 : i32
        %dma_start3A_166 = arith.constant 0 : i32
        %dma_start3A_167 = tpu.memref_slice %arg2[%add3A_165, %dma_start3A_166] : memref<320000x128xf32, #tpu.memory_space<hbm>> -> memref<128x128xf32, #tpu.memory_space<hbm>>
        %dma_start3A_168 = arith.constant 0 : i32
        %dma_start3A_169 = tpu.memref_slice %arg2[%add3A_165, %dma_start3A_168] : memref<320000x128xf32, #tpu.memory_space<hbm>> -> memref<128x128xf32, #tpu.memory_space<hbm>>
        tpu.enqueue_dma source(%dma_start3A_169 : memref<128x128xf32, #tpu.memory_space<hbm>>) target(%arg6 : memref<128x128xf32, #tpu.memory_space<vmem>>) target_semaphore(%arg11 : memref<!tpu.dma_semaphore, #tpu.memory_space<semaphore_mem>>)
      } else {
      }
      %mul3A_131 = arith.constant 3 : i32
      %mul3A_132 = arith.muli %scan3A_72, %mul3A_131 : i32
      %add3A_133 = arith.constant 2 : i32
      %add3A_134 = arith.addi %mul3A_132, %add3A_133 : i32
      %mul3A_135 = arith.constant 128 : i32
      %mul3A_136 = arith.muli %add3A_134, %mul3A_135 : i32
      %add3A_137 = arith.addi %mul3A_0, %mul3A_136 : i32
      %dma_wait3A_138 = arith.constant 0 : i32
      %dma_wait3A_139 = tpu.memref_slice %arg2[%add3A_137, %dma_wait3A_138] : memref<320000x128xf32, #tpu.memory_space<hbm>> -> memref<128x128xf32, #tpu.memory_space<hbm>>
      %dma_wait3A_140 = arith.constant 0 : i32
      %dma_wait3A_141 = tpu.memref_slice %arg2[%add3A_137, %dma_wait3A_140] : memref<320000x128xf32, #tpu.memory_space<hbm>> -> memref<128x128xf32, #tpu.memory_space<hbm>>
      tpu.wait_dma2 semaphore(%arg13 : memref<!tpu.dma_semaphore, #tpu.memory_space<semaphore_mem>>) src(%dma_wait3A_141 : memref<128x128xf32, #tpu.memory_space<hbm>>) dst(%arg8 : memref<128x128xf32, #tpu.memory_space<vmem>>)
      %dma_start3A_142 = arith.constant 0 : i32
      %dma_start3A_143 = tpu.memref_slice %arg9[%add3A_134, %dma_start3A_142] : memref<157x128xi32, #tpu.memory_space<vmem>> -> memref<1x128xi32, #tpu.memory_space<vmem>>
      %dma_start3A_144 = tpu.memref_squeeze %dma_start3A_143 : memref<1x128xi32, #tpu.memory_space<vmem>> -> memref<128xi32, #tpu.memory_space<vmem>>
      %dma_start3A_145 = arith.constant 0 : i32
      %dma_start3A_146 = arith.constant 0 : i32
      %dma_start3A_147 = tpu.memref_slice %arg10[%dma_start3A_145, %dma_start3A_146] : memref<5632x128xf32, #tpu.memory_space<vmem_shared>> -> memref<5632x128xf32, #tpu.memory_space<vmem_shared>>
      tpu.enqueue_indirect_dma source(%arg8 : memref<128x128xf32, #tpu.memory_space<vmem>>) target(%dma_start3A_147 : memref<5632x128xf32, #tpu.memory_space<vmem_shared>>) offsets(%dma_start3A_144 : memref<128xi32, #tpu.memory_space<vmem>>) semaphore(%arg16 : memref<!tpu.dma_semaphore, #tpu.memory_space<semaphore_mem>>) {add = true}
      %sub3A_148 = arith.constant 1 : i32
      %sub3A_149 = arith.subi %add3A_134, %sub3A_148 : i32
      %dma_wait3A_150 = arith.constant 0 : i32
      %dma_wait3A_151 = tpu.memref_slice %arg9[%sub3A_149, %dma_wait3A_150] : memref<157x128xi32, #tpu.memory_space<vmem>> -> memref<1x128xi32, #tpu.memory_space<vmem>>
      %dma_wait3A_152 = tpu.memref_squeeze %dma_wait3A_151 : memref<1x128xi32, #tpu.memory_space<vmem>> -> memref<128xi32, #tpu.memory_space<vmem>>
      %dma_wait3A_153 = arith.constant 0 : i32
      %dma_wait3A_154 = arith.constant 0 : i32
      %dma_wait3A_155 = tpu.memref_slice %arg10[%dma_wait3A_153, %dma_wait3A_154] : memref<5632x128xf32, #tpu.memory_space<vmem_shared>> -> memref<5632x128xf32, #tpu.memory_space<vmem_shared>>
      tpu.wait_indirect_dma semaphore(%arg15 : memref<!tpu.dma_semaphore, #tpu.memory_space<semaphore_mem>>) src(%arg7 : memref<128x128xf32, #tpu.memory_space<vmem>>) dst(%dma_wait3A_155 : memref<5632x128xf32, #tpu.memory_space<vmem_shared>>)
      %lt3A_156 = arith.constant 51 : i32
      %lt3A_157 = arith.cmpi slt, %scan3A_72, %lt3A_156 : i32
      %convert_element_type3A_158 = arith.extui %lt3A_157 : i1 to i32
      %cond3A_159 = arith.constant 0 : i32
      %cond3A_160 = arith.cmpi ne, %convert_element_type3A_158, %cond3A_159 : i32
      scf.if %cond3A_160 {
        %add3A_161 = arith.constant 2 : i32
        %add3A_162 = arith.addi %add3A_134, %add3A_161 : i32
        %mul3A_163 = arith.constant 128 : i32
        %mul3A_164 = arith.muli %add3A_162, %mul3A_163 : i32
        %add3A_165 = arith.addi %mul3A_0, %mul3A_164 : i32
        %dma_start3A_166 = arith.constant 0 : i32
        %dma_start3A_167 = tpu.memref_slice %arg2[%add3A_165, %dma_start3A_166] : memref<320000x128xf32, #tpu.memory_space<hbm>> -> memref<128x128xf32, #tpu.memory_space<hbm>>
        %dma_start3A_168 = arith.constant 0 : i32
        %dma_start3A_169 = tpu.memref_slice %arg2[%add3A_165, %dma_start3A_168] : memref<320000x128xf32, #tpu.memory_space<hbm>> -> memref<128x128xf32, #tpu.memory_space<hbm>>
        tpu.enqueue_dma source(%dma_start3A_169 : memref<128x128xf32, #tpu.memory_space<hbm>>) target(%arg7 : memref<128x128xf32, #tpu.memory_space<vmem>>) target_semaphore(%arg12 : memref<!tpu.dma_semaphore, #tpu.memory_space<semaphore_mem>>)
      } else {
      }
    }
    %scan3A_30 = arith.constant 52 : i32
    %dma_wait3A_31 = arith.constant 155 : i32
    %dma_wait3A_32 = arith.constant 0 : i32
    %dma_wait3A_33 = tpu.memref_slice %arg9[%dma_wait3A_31, %dma_wait3A_32] : memref<157x128xi32, #tpu.memory_space<vmem>> -> memref<1x128xi32, #tpu.memory_space<vmem>>
    %dma_wait3A_34 = tpu.memref_squeeze %dma_wait3A_33 : memref<1x128xi32, #tpu.memory_space<vmem>> -> memref<128xi32, #tpu.memory_space<vmem>>
    %dma_wait3A_35 = arith.constant 0 : i32
    %dma_wait3A_36 = arith.constant 0 : i32
    %dma_wait3A_37 = tpu.memref_slice %arg10[%dma_wait3A_35, %dma_wait3A_36] : memref<5632x128xf32, #tpu.memory_space<vmem_shared>> -> memref<5632x128xf32, #tpu.memory_space<vmem_shared>>
    tpu.wait_indirect_dma semaphore(%arg16 : memref<!tpu.dma_semaphore, #tpu.memory_space<semaphore_mem>>) src(%arg8 : memref<128x128xf32, #tpu.memory_space<vmem>>) dst(%dma_wait3A_37 : memref<5632x128xf32, #tpu.memory_space<vmem_shared>>)
    %add3A_38 = arith.constant 19968 : i32
    %add3A_39 = arith.addi %mul3A_0, %add3A_38 : i32
    %dma_start3A_40 = arith.constant 0 : i32
    %dma_start3A_41 = arith.constant 0 : i32
    %dma_start3A_42 = tpu.memref_slice %arg6[%dma_start3A_40, %dma_start3A_41] : memref<128x128xf32, #tpu.memory_space<vmem>> -> memref<32x128xf32, #tpu.memory_space<vmem>>
    %dma_start3A_43 = arith.constant 0 : i32
    %dma_start3A_44 = tpu.memref_slice %arg2[%add3A_39, %dma_start3A_43] : memref<320000x128xf32, #tpu.memory_space<hbm>> -> memref<32x128xf32, #tpu.memory_space<hbm>>
    %dma_start3A_45 = arith.constant 0 : i32
    %dma_start3A_46 = arith.constant 0 : i32
    %dma_start3A_47 = tpu.memref_slice %arg6[%dma_start3A_45, %dma_start3A_46] : memref<128x128xf32, #tpu.memory_space<vmem>> -> memref<32x128xf32, #tpu.memory_space<vmem>>
    %dma_start3A_48 = arith.constant 0 : i32
    %dma_start3A_49 = tpu.memref_slice %arg2[%add3A_39, %dma_start3A_48] : memref<320000x128xf32, #tpu.memory_space<hbm>> -> memref<32x128xf32, #tpu.memory_space<hbm>>
    tpu.enqueue_dma source(%dma_start3A_49 : memref<32x128xf32, #tpu.memory_space<hbm>>) target(%dma_start3A_47 : memref<32x128xf32, #tpu.memory_space<vmem>>) target_semaphore(%arg11 : memref<!tpu.dma_semaphore, #tpu.memory_space<semaphore_mem>>)
    %add3A_50 = arith.constant 19968 : i32
    %add3A_51 = arith.addi %mul3A_0, %add3A_50 : i32
    %dma_wait3A_52 = arith.constant 0 : i32
    %dma_wait3A_53 = arith.constant 0 : i32
    %dma_wait3A_54 = tpu.memref_slice %arg6[%dma_wait3A_52, %dma_wait3A_53] : memref<128x128xf32, #tpu.memory_space<vmem>> -> memref<32x128xf32, #tpu.memory_space<vmem>>
    %dma_wait3A_55 = arith.constant 0 : i32
    %dma_wait3A_56 = tpu.memref_slice %arg2[%add3A_51, %dma_wait3A_55] : memref<320000x128xf32, #tpu.memory_space<hbm>> -> memref<32x128xf32, #tpu.memory_space<hbm>>
    %dma_wait3A_57 = arith.constant 0 : i32
    %dma_wait3A_58 = arith.constant 0 : i32
    %dma_wait3A_59 = tpu.memref_slice %arg6[%dma_wait3A_57, %dma_wait3A_58] : memref<128x128xf32, #tpu.memory_space<vmem>> -> memref<32x128xf32, #tpu.memory_space<vmem>>
    %dma_wait3A_60 = arith.constant 0 : i32
    %dma_wait3A_61 = tpu.memref_slice %arg2[%add3A_51, %dma_wait3A_60] : memref<320000x128xf32, #tpu.memory_space<hbm>> -> memref<32x128xf32, #tpu.memory_space<hbm>>
    tpu.wait_dma2 semaphore(%arg11 : memref<!tpu.dma_semaphore, #tpu.memory_space<semaphore_mem>>) src(%dma_wait3A_61 : memref<32x128xf32, #tpu.memory_space<hbm>>) dst(%dma_wait3A_59 : memref<32x128xf32, #tpu.memory_space<vmem>>)
    %run_scoped3A = arith.constant 156 : i32
    "tpu.region"() ({
      %run_scoped3A_72 = tpu.sem_alloc : memref<!tpu.dma_semaphore, #tpu.memory_space<semaphore_mem>>
      %dma_start3A_73 = arith.constant 0 : i32
      %dma_start3A_74 = tpu.memref_slice %arg9[%run_scoped3A, %dma_start3A_73] : memref<157x128xi32, #tpu.memory_space<vmem>> -> memref<1x128xi32, #tpu.memory_space<vmem>>
      %dma_start3A_75 = tpu.memref_squeeze %dma_start3A_74 : memref<1x128xi32, #tpu.memory_space<vmem>> -> memref<128xi32, #tpu.memory_space<vmem>>
      %dma_start3A_76 = arith.constant 0 : i32
      %dma_start3A_77 = arith.constant 0 : i32
      %dma_start3A_78 = tpu.memref_slice %arg10[%dma_start3A_76, %dma_start3A_77] : memref<5632x128xf32, #tpu.memory_space<vmem_shared>> -> memref<5632x128xf32, #tpu.memory_space<vmem_shared>>
      tpu.enqueue_indirect_dma source(%arg6 : memref<128x128xf32, #tpu.memory_space<vmem>>) target(%dma_start3A_78 : memref<5632x128xf32, #tpu.memory_space<vmem_shared>>) offsets(%dma_start3A_75 : memref<128xi32, #tpu.memory_space<vmem>>) semaphore(%run_scoped3A_72 : memref<!tpu.dma_semaphore, #tpu.memory_space<semaphore_mem>>) {add = true}
      %dma_wait3A_79 = arith.constant 0 : i32
      %dma_wait3A_80 = tpu.memref_slice %arg9[%run_scoped3A, %dma_wait3A_79] : memref<157x128xi32, #tpu.memory_space<vmem>> -> memref<1x128xi32, #tpu.memory_space<vmem>>
      %dma_wait3A_81 = tpu.memref_squeeze %dma_wait3A_80 : memref<1x128xi32, #tpu.memory_space<vmem>> -> memref<128xi32, #tpu.memory_space<vmem>>
      %dma_wait3A_82 = arith.constant 0 : i32
      %dma_wait3A_83 = arith.constant 0 : i32
      %dma_wait3A_84 = tpu.memref_slice %arg10[%dma_wait3A_82, %dma_wait3A_83] : memref<5632x128xf32, #tpu.memory_space<vmem_shared>> -> memref<5632x128xf32, #tpu.memory_space<vmem_shared>>
      tpu.wait_indirect_dma semaphore(%run_scoped3A_72 : memref<!tpu.dma_semaphore, #tpu.memory_space<semaphore_mem>>) src(%arg6 : memref<128x128xf32, #tpu.memory_space<vmem>>) dst(%dma_wait3A_84 : memref<5632x128xf32, #tpu.memory_space<vmem_shared>>)
      tpu.yield
    }) : () -> ()
    %barrier3A_62 = arith.constant 0 : index
    tpu.barrier barrier_id(%barrier3A_62)
    %mul3A_63 = arith.constant 312 : i32
    %mul3A_64 = arith.muli %arg1, %mul3A_63 : i32
    %mul3A_65 = arith.constant 5000 : i32
    %mul3A_66 = arith.muli %arg0, %mul3A_65 : i32
    %mul3A_67 = arith.constant 312 : i32
    %mul3A_68 = arith.muli %arg1, %mul3A_67 : i32
    %add3A_69 = arith.addi %mul3A_66, %mul3A_68 : i32
    "tpu.region"() ({
      %run_scoped3A_72 = tpu.sem_alloc : memref<!tpu.dma_semaphore, #tpu.memory_space<semaphore_mem>>
      %dma_start3A_73 = arith.constant 0 : i32
      %dma_start3A_74 = tpu.memref_slice %arg5[%add3A_69, %dma_start3A_73] : memref<10000x128xf32, #tpu.memory_space<hbm>> -> memref<312x128xf32, #tpu.memory_space<hbm>>
      %dma_start3A_75 = arith.constant 0 : i32
      %dma_start3A_76 = tpu.memref_slice %arg10[%mul3A_64, %dma_start3A_75] : memref<5632x128xf32, #tpu.memory_space<vmem_shared>> -> memref<312x128xf32, #tpu.memory_space<vmem_shared>>
      tpu.enqueue_dma source(%dma_start3A_76 : memref<312x128xf32, #tpu.memory_space<vmem_shared>>) target(%dma_start3A_74 : memref<312x128xf32, #tpu.memory_space<hbm>>) target_semaphore(%run_scoped3A_72 : memref<!tpu.dma_semaphore, #tpu.memory_space<semaphore_mem>>)
      %dma_wait3A_77 = arith.constant 0 : i32
      %dma_wait3A_78 = tpu.memref_slice %arg5[%add3A_69, %dma_wait3A_77] : memref<10000x128xf32, #tpu.memory_space<hbm>> -> memref<312x128xf32, #tpu.memory_space<hbm>>
      %dma_wait3A_79 = arith.constant 0 : i32
      %dma_wait3A_80 = tpu.memref_slice %arg10[%mul3A_64, %dma_wait3A_79] : memref<5632x128xf32, #tpu.memory_space<vmem_shared>> -> memref<312x128xf32, #tpu.memory_space<vmem_shared>>
      tpu.wait_dma2 semaphore(%run_scoped3A_72 : memref<!tpu.dma_semaphore, #tpu.memory_space<semaphore_mem>>) src(%dma_wait3A_80 : memref<312x128xf32, #tpu.memory_space<vmem_shared>>) dst(%dma_wait3A_78 : memref<312x128xf32, #tpu.memory_space<hbm>>)
      tpu.yield
    }) : () -> ()
    %eq3A = arith.constant 15 : i32
    %eq3A_70 = arith.cmpi eq, %arg1, %eq3A : i32
    %convert_element_type3A = arith.extui %eq3A_70 : i1 to i32
    %cond3A = arith.constant 0 : i32
    %cond3A_71 = arith.cmpi ne, %convert_element_type3A, %cond3A : i32
    scf.if %cond3A_71 {
      %mul3A_72 = arith.constant 5000 : i32
      %mul3A_73 = arith.muli %arg0, %mul3A_72 : i32
      %add3A_74 = arith.constant 4992 : i32
      %add3A_75 = arith.addi %mul3A_73, %add3A_74 : i32
      "tpu.region"() ({
        %run_scoped3A_76 = tpu.sem_alloc : memref<!tpu.dma_semaphore, #tpu.memory_space<semaphore_mem>>
        %dma_start3A_77 = arith.constant 0 : i32
        %dma_start3A_78 = tpu.memref_slice %arg5[%add3A_75, %dma_start3A_77] : memref<10000x128xf32, #tpu.memory_space<hbm>> -> memref<8x128xf32, #tpu.memory_space<hbm>>
        %dma_start3A_79 = arith.constant 4992 : i32
        %dma_start3A_80 = arith.constant 0 : i32
        %dma_start3A_81 = tpu.memref_slice %arg10[%dma_start3A_79, %dma_start3A_80] : memref<5632x128xf32, #tpu.memory_space<vmem_shared>> -> memref<8x128xf32, #tpu.memory_space<vmem_shared>>
        tpu.enqueue_dma source(%dma_start3A_81 : memref<8x128xf32, #tpu.memory_space<vmem_shared>>) target(%dma_start3A_78 : memref<8x128xf32, #tpu.memory_space<hbm>>) target_semaphore(%run_scoped3A_76 : memref<!tpu.dma_semaphore, #tpu.memory_space<semaphore_mem>>)
        %dma_wait3A_82 = arith.constant 0 : i32
        %dma_wait3A_83 = tpu.memref_slice %arg5[%add3A_75, %dma_wait3A_82] : memref<10000x128xf32, #tpu.memory_space<hbm>> -> memref<8x128xf32, #tpu.memory_space<hbm>>
        %dma_wait3A_84 = arith.constant 4992 : i32
        %dma_wait3A_85 = arith.constant 0 : i32
        %dma_wait3A_86 = tpu.memref_slice %arg10[%dma_wait3A_84, %dma_wait3A_85] : memref<5632x128xf32, #tpu.memory_space<vmem_shared>> -> memref<8x128xf32, #tpu.memory_space<vmem_shared>>
        tpu.wait_dma2 semaphore(%run_scoped3A_76 : memref<!tpu.dma_semaphore, #tpu.memory_space<semaphore_mem>>) src(%dma_wait3A_86 : memref<8x128xf32, #tpu.memory_space<vmem_shared>>) dst(%dma_wait3A_83 : memref<8x128xf32, #tpu.memory_space<hbm>>)
        tpu.yield
      }) : () -> ()
    } else {
    }
    return
  }
}

</mosaic_0001>

<sc_bundles>
// kernel: _run.3.cloned.1.call-start
scs
__scs_entry_jumppad:
0x0: {  	(pc) =	sbr.rel $0x88, $3  }
0x1: {  	(tag) =	ssettag $0x0;
	lr =	simm.s32 $0x1  }
0x2: {  	[smem:$0x3F9F] =	sst lr;
	_ =	strace $0xD0000000  }
0x3: {  	_ = 	snop  }
0x4: {  	_ = 	snop  }
0x5: {  	_ = 	snop  }
0x6: {  	_ = 	snop  }
0x7: {  	_ = 	snop  }
__scs_overlays_trampoline_lowered:
0x8: {  	[smem:$0x3FAE] =	sst s0  }
0x9: {  	[smem:$0x3FAF] =	sst s1  }
0xa: {  	[smem:$0x3FB0] =	sst s2  }
0xb: {  	[smem:$0x3FB1] =	sst s3  }
0xc: {  	[smem:$0x3FB2] =	sst s4  }
0xd: {  	[smem:$0x3FB3] =	sst s5  }
0xe: {  	[smem:$0x3FB4] =	sst s6  }
0xf: {  	[smem:$0x3FB5] =	sst s7  }
0x10: {  	[smem:$0x3FB6] =	sst s8  }
0x11: {  	[smem:$0x3FB7] =	sst s9;
	s0 =	simm.s32 @!p0 $0x0  }
0x12: {  	s1 =	sld [smem:$0x3F9D];
	s0 =	simm.s32 @p0 $0x1  }
0x13: {  	[smem:$0x3FB8] =	sst s0;
	s0 =	simm.s32 @!p1 $0x0  }
0x14: {  	s2 =	sld [smem:$0x3F9C];
	s0 =	simm.s32 @p1 $0x1  }
0x15: {  	[smem:$0x3FB9] =	sst s0;
	s0 =	simm.s32 @!p2 $0x0  }
0x16: {  	s3 =	sld [smem:$0x3FDB];
	s0 =	simm.s32 @p2 $0x1  }
0x17: {  	s4 =	simm.s32 $0x1BF5;
	[smem:$0x3FBB] =	sst s0  }
0x18: {  	s0 =	sld [smem:$0x3F9E];
	_ =	swait.ge [sflag:s4], $0x0  }
0x19: {  	s7 =	sld [smem:$0x3F9F]  }
0x1a: {  	s8 =	sadd.s32 $0xFFFFE003, lr  }
0x1b: {  	s9 =	sadd.s32 $0xFFFFFEF7, lr;
	s5 =	simm.s32 $0xFFFFFFFF;
	p2 =	slt.u32 s8, $0xFFFFF086  }
0x1c: {  	p1 =	slt.u32 s9, $0xF7A;
	s5 =	simm.s32 @!p2 $0x0  }
0x1d: {  	s5 =	simm.s32 @p1 $0x1;
	p0 =	seq.s32 s7, s2  }
0x1e: {  	s7 =	smul.u32 @!p0 $0xF7A, s2;
	p2 =	seq.s32 @!p0 s5, $0x0  }
0x1f: {  	s9 =	smul.u32 $0xF7A, s1;
	s8 =	simm.s32 @!p0 $0x1BF5;
	p2 =	por !p2, p0  }
0x20: {  	[sflag:s8] =	ssyncset.s32 @!p0 $0xFFFFF086;
	s6 =	sadd.s32 @!p0 s3, s7;
	s7 =	simm.s32 @!p0 $0x108  }
0x21: {  	s3 =	sadd.s32 s3, s9;
	s6 =	sadd.s32 @!p0 $0x88, s6;
	s7 =	simm.s32 @p2 $0x1082  }
0x22: {  	[simem:s7], [sflag:s8] =	dma.local @!p0 [hbm:s6], $0xF7A  }
0x23: {  	s9 =	sor.u32 $0xD0000000, s2;
	s6 =	simm.s32 $0x108;
	_ =	swait.ge @!p0 [sflag:s8], $0x0  }
0x24: {  	s3 =	sadd.s32 $0x88, s3;
	s6 =	simm.s32 @!p1 $0x1082;
	[sflag:s4] =	ssyncset.s32 $0xFFFFF086  }
0x25: {  	[simem:s6], [sflag:s4] =	dma.local [hbm:s3], $0xF7A  }
0x26: {  	[smem:$0x3F9F] =	sst s1;
	(tag) =	ssettag s2;
	_ =	strace s9  }
0x27: {  	s1 =	sld [smem:$0x3FAF]  }
0x28: {  	s2 =	sld [smem:$0x3FB0]  }
0x29: {  	s4 =	sld [smem:$0x3FB2]  }
0x2a: {  	p0 =	seq.s32 s5, $0x0;
	s5 =	sld [smem:$0x3FB3]  }
0x2b: {  	s6 =	sld [smem:$0x3FB4]  }
0x2c: {  	s7 =	sld [smem:$0x3FB5]  }
0x2d: {  	s3 =	simm.s32 $0x108;
	s8 =	sld [smem:$0x3FB6]  }
0x2e: {  	s3 =	simm.s32 @!p0 $0x1082;
	s9 =	sld [smem:$0x3FB7]  }
0x2f: {  	lr =	sadd.s32 s0, s3;
	s0 =	sld [smem:$0x3FAE]  }
0x30: {  	s3 =	sld [smem:$0x3FB1]  }
0x31: {  	[smem:$0x3FBA] =	sst s10  }
0x32: {  	s10 =	sld [smem:$0x3FB8];
	_ =	sdelay $0x3  }
0x33: {  	p0 =	seq.s32 s10, $0x1;
	s10 =	sld [smem:$0x3FBA];
	_ =	sdelay $0x3  }
0x34: {  	[smem:$0x3FBA] =	sst s10  }
0x35: {  	s10 =	sld [smem:$0x3FB9];
	_ =	sdelay $0x3  }
0x36: {  	p1 =	seq.s32 s10, $0x1;
	s10 =	sld [smem:$0x3FBA];
	_ =	sdelay $0x3  }
0x37: {  	[smem:$0x3FBA] =	sst s10  }
0x38: {  	s10 =	sld [smem:$0x3FBB]  }
0x39: {  	_ = 	snop;
	(pc) =	sbr.ind lr, $3  }
0x3a: {  	_ = 	snop  }
0x3b: {  	_ = 	snop  }
0x3c: {  	p2 =	seq.s32 s10, $0x1;
	s10 =	sld [smem:$0x3FBA]  }
0x3d: {  	_ =	shalt  }
0x3e: {  	_ =	shalt  }
0x3f: {  	_ =	shalt  }
0x40: {  	_ =	shalt  }
0x41: {  	_ =	shalt  }
0x42: {  	_ =	shalt  }
0x43: {  	_ =	shalt  }
0x44: {  	_ =	shalt  }
0x45: {  	_ =	shalt  }
0x46: {  	_ =	shalt  }
0x47: {  	_ =	shalt  }
0x48: {  	_ =	shalt  }
0x49: {  	_ =	shalt  }
0x4a: {  	_ =	shalt  }
0x4b: {  	_ =	shalt  }
0x4c: {  	_ =	shalt  }
0x4d: {  	_ =	shalt  }
0x4e: {  	_ =	shalt  }
0x4f: {  	_ =	shalt  }
0x50: {  	_ =	shalt  }
0x51: {  	_ =	shalt  }
0x52: {  	_ =	shalt  }
0x53: {  	_ =	shalt  }
0x54: {  	_ =	shalt  }
0x55: {  	_ =	shalt  }
0x56: {  	_ =	shalt  }
0x57: {  	_ =	shalt  }
0x58: {  	_ =	shalt  }
0x59: {  	_ =	shalt  }
0x5a: {  	_ =	shalt  }
0x5b: {  	_ =	shalt  }
0x5c: {  	_ =	shalt  }
0x5d: {  	_ =	shalt  }
0x5e: {  	_ =	shalt  }
0x5f: {  	_ =	shalt  }
0x60: {  	_ =	shalt  }
0x61: {  	_ =	shalt  }
0x62: {  	_ =	shalt  }
0x63: {  	_ =	shalt  }
0x64: {  	_ =	shalt  }
0x65: {  	_ =	shalt  }
0x66: {  	_ =	shalt  }
0x67: {  	_ =	shalt  }
0x68: {  	_ =	shalt  }
0x69: {  	_ =	shalt  }
0x6a: {  	_ =	shalt  }
0x6b: {  	_ =	shalt  }
0x6c: {  	_ =	shalt  }
0x6d: {  	_ =	shalt  }
0x6e: {  	_ =	shalt  }
0x6f: {  	_ =	shalt  }
0x70: {  	_ =	shalt  }
0x71: {  	_ =	shalt  }
0x72: {  	_ =	shalt  }
0x73: {  	_ =	shalt  }
0x74: {  	_ =	shalt  }
0x75: {  	_ =	shalt  }
0x76: {  	_ =	shalt  }
0x77: {  	_ =	shalt  }
0x78: {  	_ =	shalt  }
0x79: {  	_ =	shalt  }
0x7a: {  	_ =	shalt  }
0x7b: {  	_ =	shalt  }
0x7c: {  	_ =	shalt  }
0x7d: {  	_ =	shalt  }
0x7e: {  	_ =	shalt  }
0x7f: {  	_ =	shalt  }
0x80: {  	_ =	shalt  }
0x81: {  	_ =	shalt  }
0x82: {  	_ =	shalt  }
0x83: {  	_ =	shalt  }
0x84: {  	_ =	shalt  }
0x85: {  	_ =	shalt  }
0x86: {  	_ =	shalt  }
0x87: {  	_ =	shalt  }
.Lfunc_end0:
.L_simem_size_0:
called_computation_lowered:
.L_overlay_start_0:
0x88: {  	s2 =	sld [smem:$0x3FD9]  }
0x89: {  	s3 =	sld [smem:$0x3FFE];
	_ =	sdelay $0x1  }
0x8a: {  	s1 =	srdreg.scid  }
0x8b: {  	s0 =	sand.u32 $0x1, s1  }
0x8c: {  	s17 =	sshll.u32 s0, $0xA;
	s2 =	sadd.s32 s3, s2  }
0x8d: {  	s2 =	sadd.s32 s2, s17  }
0x8e: {  	[smem:$0x3FC6] =	sst s2  }
0x8f: {  	_ = 	snop  }
0x90: {  	s2 =	sld [smem:$0x3FC9]  }
0x91: {  	s18 =	sld [smem:$0x3FD0];
	(tm) =	ssettm $0x1  }
0x92: {  	s4 =	sld [smem:$0x3FFB];
	_ =	sdelay $0x3  }
0x93: {  	_ =	strace s4  }
0x94: {  	s4 =	sld [smem:$0x3FFC];
	_ =	sdelay $0x3  }
0x95: {  	_ =	strace s4  }
0x96: {  	s4 =	sld [smem:$0x3FFD];
	_ =	sdelay $0x3  }
0x97: {  	_ =	strace s4  }
0x98: {  	_ =	strace $0x8FFFFFFF  }
0x99: {  	s19 =	sld [smem:$0x3FDB];
	_ =	sdelay $0x1  }
0x9a: {  	s5 =	simm.s32 $_scs_section_size  }
0x9b: {  	s6 =	simm.s32 $_size__tile_overlayer_lowered;
	s7 =	simm.s32 $_tile_overlayer_lowered  }
0x9c: {  	s22 =	simm.s32 $0x1BFF;
	s21 =	sshll.u32 s7, $0x1;
	s4 =	sadd.s32 s5, s19  }
0x9d: {  	s8 =	simm.s32 $0x0;
	s20 =	sshll.u32 s6, $0x1;
	s6 =	sadd.s32 s21, s4  }
0x9e: {  	[timem:s8], [sflag:s22] =	dma.local [hbm:s6], s20  }
0x9f: {  	_ =	swait.ge [sflag:s22], s20  }
0xa0: {  	s5 =	ssub.s32 $0x0, s20;
	[sflag:s22] =	ssyncset.done $0x0  }
0xa1: {  	[sflag:s22] =	ssyncadd.s32 s5;
	_ =	sdelay $0x1  }
0xa2: {  	s23 =	simm.s32 $0x1B8B  }
0xa3: {  	_ =	swait.ge [sflag:s23], $0x1  }
0xa4: {  	[sflag:s23] =	ssyncset.done $0x0  }
0xa5: {  	s25 =	simm.s32 $0x1B8E;
	s24 =	sld [smem:$0x3FFE];
	[sflag:s23] =	ssyncadd.s32 $0xFFFFFFFF  }
0xa6: {  	s26 =	simm.s32 $execute0_lowered;
	[smem:$0x3FD2] =	sst s25  }
0xa7: {  	s6 =	sshll.u32 s26, $0x1;
	_ =	strace $0x80000046;
	[dreg:$0x1] =	wrdreg $0xFFFFFFFF  }
0xa8: {  	s28 =	simm.s32 $_size_execute0_lowered;
	s4 =	sadd.s32 s4, s6;
	[dreg:$0x0] =	wrdreg $0x0  }
0xa9: {  	s6 =	sshll.u32 s28, $0x1;
	[dreg:$0x2] =	wrdreg s4  }
0xaa: {  	[dreg:$0x3] =	wrdreg s6  }
0xab: {  	[dreg:$0x4] =	wrdreg $0xC0  }
0xac: {  	_ =	task [dreg:s8], $0x5FFFF  }
0xad: {  	[dreg:$0x1] =	wrdreg $0xFFFFFFFF  }
0xae: {  	[dreg:$0x0] =	wrdreg $0x60  }
0xaf: {  	[dreg:$0x2] =	wrdreg s2  }
0xb0: {  	[dreg:$0x3] =	wrdreg s24  }
0xb1: {  	[dreg:$0x4] =	wrdreg s18  }
0xb2: {  	[dreg:$0x5] =	wrdreg $0x110000  }
0xb3: {  	[dreg:$0x6] =	wrdreg $0x9  }
0xb4: {  	_ =	task.clear_ibuf [dreg:s8], $0x7FFFF;
	_ =	strace $0x90000046  }
0xb5: {  	s29 =	simm.s32 $0x9;
	_ =	strace $0x80000048  }
0xb6: {  	_ =	swait.ge [sflag:s29], $0x1  }
0xb7: {  	[sflag:s29] =	ssyncadd.s32 $0xFFFFFFFF  }
0xb8: {  	_ =	strace $0x90000048  }
0xb9: {  	_ =	sfence  }
0xba: {  	s30 =	sld [smem:$0x0];
	_ =	sdelay $0x2  }
0xbb: {  	s31 =	sshll.u32 s1, $0xD;
	s1 =	sshrl.u32 s1, $0x2  }
0xbc: {  	s3 =	sand.u32 $0x4000, s31;
	s1 =	sadd.s32 s1, s30  }
0xbd: {  	s0 =	sor.u32 s3, s0;
	s1 =	sshll.u32 s1, $0x11  }
0xbe: {  	s0 =	sor.u32 s1, s0  }
0xbf: {  	s0 =	sadd.s32 $0x8F2B, s0  }
0xc0: {  	[sflag:s0] =	ssyncadd.remote.s32 $0x1  }
0xc1: {  	_ =	sfence.sel $0xFFFF  }
0xc2: {  	[dreg:$0x0] =	wrdreg $0xFFFFFFFF;
	(pc) =	sbr.abs _section_cstart, $3  }
0xc3: {  	[dreg:$0x1] =	wrdreg $0xFFFFFFFF  }
0xc4: {  	_ =	task.clear_ibuf [dreg:s8], $0x2FFFF;
	_ =	strace $0x9FFFFFFF  }
0xc5: {  	(tm) =	ssettm $0x7FFFFFFF  }
tec
execute0_lowered:
.L_overlay_start_1:
0x0: {  	(tag) =	ssettag $0x1  }
0x1: {  	s23 =	stileid.u32  }
0x2: {  	s6 =	smul.u32 $0x5000, s23  }
0x3: {  	s0 =	rddreg [dreg:$0x0];
	s17 =	smul.u32 $0x1600, s23  }
0x4: {  	s1 =	rddreg [dreg:$0x1];
	s8 =	smul.u32 $0x271000, s23  }
0x5: {  	s2 =	srdreg.scid;
	s10 =	smul.u32 $0x4E200, s23  }
0x6: {  	s5 =	rddreg [dreg:$0x2];
	s21 =	smul.u32 $0x2C000, s23  }
0x7: {  	s3 =	simm.s32 $0x0;
	s28 =	simm.s32 $0x2;
	s11 =	smul.u32 $0x27000, s23  }
0x8: {  	s30 =	simm.s32 $0x3;
	s7 =	sand.u32 $0x1, s2;
	s14 =	smul.u32 $0x1380, s23  }
0x9: {  	s31 =	simm.s32 $0x0;
	s2 =	rddreg [dreg:$0x3];
	s4 =	smul.u32 $0x50000, s7  }
0xa: {  	[smem:$0x7FF] =	sst s3;
	p0 =	sne.s32 s23, $0xF;
	s12 =	smul.u32 $0x13880, s7  }
0xb: {  	_ =	strace $0x80000047;
	s18 =	ssub.s32 $0x2, s7;
	s25 =	smul.u32 $0x9C400, s7  }
0xc: {  	s7 =	sadd.s32 $0x9C000, s2;
	s19 =	sshrl.u32 s18, $0x1;
	s20 =	sshrl.u32 s8, $0x3  }
0xd: {  	s22 =	sshrl.u32 s21, $0x2;
	s26 =	sshrl.u32 s11, $0x2;
	s21 =	simm.s32 $0x4  }
0xe: {  	s4 =	sadd.s32 s6, s4;
	s13 =	ssub.s32 s18, s19;
	s18 =	sadd.s32 s22, s2  }
0xf: {  	s29 =	sadd.s32 s14, s12;
	s19 =	simm.s32 $0xC000;
	s22 =	simm.s32 $0x1  }
0x10: {  	s4 =	sshrl.u32 s4, $0x3;
	s11 =	sadd.s32 s5, s29;
	s13 =	smax.u32 s13, $0x1  }
0x11: {  	s18 =	sshrl.u32 s18, $0x3;
	s9 =	sadd.s32 s4, s1;
	s1 =	sadd.s32 s17, s1  }
0x12: {  	s4 =	sadd.s32 s0, s10;
	s0 =	sadd.s32 s0, s20;
	s17 =	simm.s32 $0x4000  }
0x13: {  	s20 =	simm.s32 $0x7;
	s6 =	sadd.s32 $0x800, s0;
	s1 =	sadd.s32 $0x14800, s1  }
0x14: {  	s9 =	sadd.s32 $0x800, s9;
	s10 =	sadd.s32 $0x4E000, s0;
	s0 =	sadd.s32 s26, s2  }
0x15: {  	s14 =	sadd.s32 $0x1000, s4;
	s15 =	sadd.s32 $0x1800, s4;
	s16 =	sadd.s32 $0x2000, s4  }
.Ltmp0:
0x16: {  	s26 =	simm.s32 $0x8000;
	[dreg:$0x5] =	wrdreg s6;
	(pc) =	sbr.rel .LBB2_1-.Ltmp0, $4  }
0x17: {  	s6 =	sshll.u32 s23, $0x6;
	[dreg:$0x6] =	wrdreg s1;
	s1 =	sshrl.u32 s25, $0x3  }
0x18: {  	s23 =	simm.s32 $0x80;
	s24 =	sor.u32 $0x1C04, s6;
	s1 =	sadd.s32 s5, s1  }
0x19: {  	s25 =	sshrl.u32 @!p0 s7, $0x3;
	[dreg:$0x7] =	wrdreg s24;
	s12 =	sadd.s32 $0x13800, s1  }
0x1a: {  	s24 =	sshrl.u32 s0, $0x3;
	s1 =	simm.s32 $0x5;
	s0 =	simm.s32 $0x6  }
.LBB2_4:
0x1b: {  	_ =	swait.ge [sflag:s30], $0x4000  }
0x1c: {  	[sflag:s30] =	ssyncset.done $0x0  }
0x1d: {  	[sflag:s30] =	ssyncadd.s32 $0xFFFFC000  }
0x1e: {  	[spmem:s2] =	stream.indirect.scatter.add.f32 [tilespmem:s26], [sflag:$0x6], $0x80, s29, s23, $0xb8;
	[tilespmem:$0x1C000] =	vst v63  }
0x1f: {  	_ =	swait.ge [sflag:s1], $0x4000  }
0x20: {  	[sflag:s1] =	ssyncset.done $0x0  }
0x21: {  	[sflag:s1] =	ssyncadd.s32 $0xFFFFC000  }
0x22: {  	_ =	swait.ge [sflag:s0], $0x4000  }
0x23: {  	[sflag:s0] =	ssyncset.done $0x0  }
0x24: {  	[sflag:s0] =	ssyncadd.s32 $0xFFFFC000  }
0x25: {  	[tilespmem:s3], [sflag:$0x1] =	stream.linear.gather [hbm4b:s10+s3], $0x1000, $0x38;
	[tilespmem:$0x1C000] =	vst v63  }
0x26: {  	_ =	swait.ge [sflag:s22], $0x1000  }
0x27: {  	[sflag:s22] =	ssyncset.done $0x0  }
0x28: {  	s5 =	simm.s32 $0x10E00;
	[sflag:s22] =	ssyncadd.s32 $0xFFFFF000  }
0x29: {  	[spmem:s2] =	stream.indirect.scatter.add.f32 [tilespmem:s3], [sflag:$0x7], $0x80, s5, s23, $0xb8;
	[tilespmem:$0x1C000] =	vst v63  }
0x2a: {  	_ =	swait.ge [sflag:s20], $0x4000  }
0x2b: {  	[sflag:s20] =	ssyncset.done $0x0  }
0x2c: {  	[sflag:s20] =	ssyncadd.s32 $0xFFFFC000  }
0x2d: {  	s5 =	sor.u32 $0x1C07, s6;
	[bflag:$0x0] =	sbarrier.arrive $0xFFFF  }
0x2e: {  	[hbm:s11], [sflag:s5] =	dma.local [spmem:s24], $0x1380  }
0x2f: {  	_ =	swait.ge [sflag:s20], $0x1380  }
0x30: {  	s31 =	sadd.s32 $0x1, s31;
	[sflag:s20] =	ssyncset.done $0x0  }
0x31: {  	p1 =	sne.s32 s31, s13;
	[sflag:s20] =	ssyncadd.s32 $0xFFFFEC80  }
0x32: {  	[hbm:s12], [sflag:s5] =	dma.local @!p0 [spmem:s25], $0x80  }
.Ltmp1:
0x33: {  	_ = 	snop;
	(pc) =	sbr.rel @!p1 .LBB2_5-.Ltmp1, $4  }
0x34: {  	s5 =	simm.s32 @!p0 $0x7  }
0x35: {  	_ =	swait.ge @!p0 [sflag:s5], $0x80  }
0x36: {  	[sflag:s5] =	ssyncset.done @!p0 $0x0  }
0x37: {  	[sflag:s5] =	ssyncadd.s32 @!p0 $0xFFFFFF80  }
.LBB2_1:
0x38: {  	[tilespmem:s3], [sflag:$0x1] =	stream.linear.gather [hbm4b:s4+s3], $0x4000, $0x38;
	[tilespmem:$0x1C000] =	vst v63  }
0x39: {  	s5 =	rddreg [dreg:$0x5]  }
0x3a: {  	s8 =	rddreg [dreg:$0x6]  }
0x3b: {  	s7 =	rddreg [dreg:$0x7]  }
0x3c: {  	[tilespmem:s17], [sflag:$0x2] =	stream.linear.gather [hbm4b:s5+s3], $0x4000, $0x38;
	[tilespmem:$0x1C000] =	vst v63  }
0x3d: {  	[spmem:s18], [sflag:s7] =	dma.local [hbm:s8], $0x1600  }
0x3e: {  	[tilespmem:s19], [sflag:$0x7] =	stream.linear.gather [hbm4b:s9+s3], $0x4E80, $0x38;
	[tilespmem:$0x1C000] =	vst v63  }
0x3f: {  	_ =	swait.ge [sflag:s20], $0x4E80  }
0x40: {  	[sflag:s20] =	ssyncset.done $0x0  }
0x41: {  	[sflag:s20] =	ssyncadd.s32 $0xFFFFB180  }
0x42: {  	_ =	swait.ge [sflag:s21], $0x1600  }
0x43: {  	[sflag:s21] =	ssyncset.done $0x0  }
0x44: {  	[sflag:s21] =	ssyncadd.s32 $0xFFFFEA00  }
0x45: {  	[bflag:$0x0] =	sbarrier.arrive $0xFFFF  }
0x46: {  	_ =	swait.ge [sflag:s22], $0x4000  }
0x47: {  	[sflag:s22] =	ssyncset.done $0x0  }
0x48: {  	[sflag:s22] =	ssyncadd.s32 $0xFFFFC000  }
0x49: {  	[spmem:s2] =	stream.indirect.scatter.add.f32 [tilespmem:s3], [sflag:$0x4], $0x80, s19, s23, $0xb8;
	[tilespmem:$0x1C000] =	vst v63  }
0x4a: {  	_ = 	snop  }
0x4b: {  	[tilespmem:s26], [sflag:$0x3] =	stream.linear.gather [hbm4b:s14+s3], $0x4000, $0x38;
	[tilespmem:$0x1C000] =	vst v63  }
0x4c: {  	_ =	swait.ge [sflag:s28], $0x4000  }
0x4d: {  	[sflag:s28] =	ssyncset.done $0x0  }
0x4e: {  	s7 =	simm.s32 $0xC080;
	[sflag:s28] =	ssyncadd.s32 $0xFFFFC000  }
0x4f: {  	[spmem:s2] =	stream.indirect.scatter.add.f32 [tilespmem:s17], [sflag:$0x5], $0x80, s7, s23, $0xb8;
	[tilespmem:$0x1C000] =	vst v63  }
0x50: {  	_ =	swait.ge [sflag:s21], $0x4000  }
0x51: {  	[sflag:s21] =	ssyncset.done $0x0  }
0x52: {  	[sflag:s21] =	ssyncadd.s32 $0xFFFFC000  }
0x53: {  	[tilespmem:s3], [sflag:$0x1] =	stream.linear.gather [hbm4b:s15+s3], $0x4000, $0x38;
	[tilespmem:$0x1C000] =	vst v63  }
0x54: {  	_ =	swait.ge [sflag:s30], $0x4000  }
0x55: {  	[sflag:s30] =	ssyncset.done $0x0  }
0x56: {  	s8 =	simm.s32 $0xC100;
	[sflag:s30] =	ssyncadd.s32 $0xFFFFC000  }
0x57: {  	[spmem:s2] =	stream.indirect.scatter.add.f32 [tilespmem:s26], [sflag:$0x6], $0x80, s8, s23, $0xb8;
	[tilespmem:$0x1C000] =	vst v63  }
0x58: {  	_ =	swait.ge [sflag:s1], $0x4000  }
0x59: {  	[sflag:s1] =	ssyncset.done $0x0  }
0x5a: {  	s29 =	simm.s32 $0xC280;
	s5 =	simm.s32 $0x0;
	[sflag:s1] =	ssyncadd.s32 $0xFFFFC000  }
0x5b: {  	[tilespmem:s17], [sflag:$0x2] =	stream.linear.gather [hbm4b:s16+s3], $0x4000, $0x38;
	[tilespmem:$0x1C000] =	vst v63  }
.LBB2_2:
0x5c: {  	_ =	swait.ge [sflag:s22], $0x4000  }
0x5d: {  	[sflag:s22] =	ssyncset.done $0x0  }
0x5e: {  	s7 =	sadd.s32 $0xFFFFFF00, s29;
	[sflag:s22] =	ssyncadd.s32 $0xFFFFC000  }
0x5f: {  	[spmem:s2] =	stream.indirect.scatter.add.f32 [tilespmem:s3], [sflag:$0x4], $0x80, s7, s23, $0xb8;
	[tilespmem:$0x1C000] =	vst v63  }
0x60: {  	_ =	swait.ge [sflag:s0], $0x4000  }
0x61: {  	s7 =	sadd.s32 s5, s4;
	[sflag:s0] =	ssyncset.done $0x0  }
0x62: {  	s8 =	sadd.s32 $0x2800, s7;
	[sflag:s0] =	ssyncadd.s32 $0xFFFFC000  }
0x63: {  	[tilespmem:s26], [sflag:$0x3] =	stream.linear.gather [hbm4b:s8+s3], $0x4000, $0x38;
	[tilespmem:$0x1C000] =	vst v63  }
0x64: {  	_ =	swait.ge [sflag:s28], $0x4000  }
0x65: {  	p1 =	seq.s32 s5, $0x4B000;
	[sflag:s28] =	ssyncset.done $0x0  }
.Ltmp2:
0x66: {  	s8 =	sadd.s32 $0xFFFFFF80, s29;
	[sflag:s28] =	ssyncadd.s32 $0xFFFFC000;
	(pc) =	sbr.rel @p1 .LBB2_4-.Ltmp2, $4  }
0x67: {  	[spmem:s2] =	stream.indirect.scatter.add.f32 [tilespmem:s17], [sflag:$0x5], $0x80, s8, s23, $0xb8;
	[tilespmem:$0x1C000] =	vst v63  }
0x68: {  	_ =	swait.ge [sflag:s21], $0x4000  }
0x69: {  	[sflag:s21] =	ssyncset.done $0x0  }
0x6a: {  	[sflag:s21] =	ssyncadd.s32 $0xFFFFC000  }
0x6b: {  	s8 =	sadd.s32 $0x3000, s7  }
0x6c: {  	[tilespmem:s3], [sflag:$0x1] =	stream.linear.gather [hbm4b:s8+s3], $0x4000, $0x38;
	[tilespmem:$0x1C000] =	vst v63  }
0x6d: {  	_ =	swait.ge [sflag:s30], $0x4000  }
0x6e: {  	[sflag:s30] =	ssyncset.done $0x0  }
0x6f: {  	[sflag:s30] =	ssyncadd.s32 $0xFFFFC000  }
0x70: {  	[spmem:s2] =	stream.indirect.scatter.add.f32 [tilespmem:s26], [sflag:$0x6], $0x80, s29, s23, $0xb8;
	[tilespmem:$0x1C000] =	vst v63  }
.Ltmp3:
0x71: {  	_ = 	snop;
	(pc) =	sbr.rel .LBB2_2-.Ltmp3, $4  }
0x72: {  	_ =	swait.ge [sflag:s1], $0x4000  }
0x73: {  	s5 =	sadd.s32 $0x1800, s5;
	[sflag:s1] =	ssyncset.done $0x0  }
0x74: {  	s8 =	sadd.s32 $0x3800, s7;
	s29 =	sadd.s32 $0x180, s29;
	[sflag:s1] =	ssyncadd.s32 $0xFFFFC000  }
0x75: {  	[tilespmem:s17], [sflag:$0x2] =	stream.linear.gather [hbm4b:s8+s3], $0x4000, $0x38;
	[tilespmem:$0x1C000] =	vst v63  }
.LBB2_5:
0x76: {  	_ =	sfence.sel $0x180000  }
0x77: {  	[bflag:$0x0] =	sbarrier.arrive $0xFFFF  }
0x78: {  	_ =	strace $0x90000047  }
0x79: {  	s0 =	stileid.u32;
	[bflag:$0x2] =	sbarrier.arrive $0xFFFF  }
0x7a: {  	p0 =	sne.s32 s0, $0x0;
	s0 =	rddreg [dreg:$0x4]  }
0x7b: {  	s0 =	sadd.s32 @!p0 $0x100000, s0  }
0x7c: {  	[sflag:s0] =	ssyncadd.tile.s32 @!p0 $0x1;
	_ =	shalt  }
.Lfunc_end2:
_tile_overlayer_lowered:
.L_overlay_start_2:
0x7d: {  	(tag) =	ssettag $0x2  }
0x7e: {  	s0 =	rddreg [dreg:$0x0];
	s2 =	stileid.u32  }
0x7f: {  	s1 =	rddreg [dreg:$0x1];
	p0 =	sne.s32 s2, $0x0  }
0x80: {  	s3 =	rddreg [dreg:$0x2];
	[bflag:$0x3] =	sbarrier.arrive $0xFFFF;
	s2 =	simm.s32 @!p0 $0x1C07  }
0x81: {  	[timem:s3], [sflag:s2] =	dma.local @!p0 [hbm:s0], s1  }
0x82: {  	s0 =	simm.s32 @!p0 $0x7  }
0x83: {  	_ =	swait.ge @!p0 [sflag:s0], s1  }
0x84: {  	s1 =	ssub.s32 @!p0 $0x0, s1;
	[sflag:s0] =	ssyncset.done @!p0 $0x0  }
0x85: {  	[sflag:s0] =	ssyncadd.s32 @!p0 s1  }
0x86: {  	[bflag:$0x3] =	sbarrier.arrive $0xFFFF  }
0x87: {  	_ =	shalt  }

</sc_bundles>
